<compile_context>
chip_gen: v7x
topology: tpu7x:2x2x1
jax: 0.10.2.dev20260603
libtpu: 0.0.44.dev20260713+nightly
codegen_flags: <defaults>
</compile_context>

<pallas_src>
import jax
import jax.numpy as jnp
from jax import lax
from jax.experimental import pallas as pl
from jax.experimental.pallas import tpu as pltpu
from jax.experimental.pallas import tpu_sc as plsc

D_MODEL = 1024
N_SEQ = 4
L_SEQ = 4096

_NC, _NS = 2, 16
_NW = _NC * _NS
_PER_W = (N_SEQ * L_SEQ) // _NW
_W_PER_SEQ = L_SEQ // _PER_W
_CHUNK = 16
_NCHUNK = _PER_W // _CHUNK


def _embed_body(table_hbm, idx_hbm, out_hbm, idx_v, rows0, rows1, rows2, rows3,
                gsem0, gsem1, gsem2, gsem3, ssem0, ssem1, ssem2, ssem3):
    wid = lax.axis_index("s") * _NC + lax.axis_index("c")
    seq = wid // _W_PER_SEQ
    col = (wid % _W_PER_SEQ) * _PER_W
    pltpu.sync_copy(idx_hbm.at[seq, pl.ds(col, _PER_W)], idx_v)

    bufs = (rows0, rows1, rows2, rows3)
    gsems = (gsem0, gsem1, gsem2, gsem3)
    ssems = (ssem0, ssem1, ssem2, ssem3)
    nbuf = 4

    def gather(c, b):
        return pltpu.async_copy(
            table_hbm.at[idx_v.at[pl.ds(c * _CHUNK, _CHUNK)]], bufs[b], gsems[b]
        )

    def scatter(c, b):
        return pltpu.async_copy(
            bufs[b], out_hbm.at[seq, pl.ds(col + c * _CHUNK, _CHUNK)], ssems[b]
        )

    for b in range(nbuf):
        gather(b, b)

    def ring(i, carry):
        for b in range(nbuf):
            c = nbuf * i + b
            pltpu.make_async_copy(
                table_hbm.at[pl.ds(0, _CHUNK)], bufs[b], gsems[b]
            ).wait()
            scatter(c, b)
            pltpu.make_async_copy(
                bufs[b], out_hbm.at[seq, pl.ds(col, _CHUNK)], ssems[b]
            ).wait()

            @pl.when(c + nbuf < _NCHUNK)
            def _():
                gather(c + nbuf, b)

        return carry

    lax.fori_loop(0, _NCHUNK // nbuf, ring, 0)


@jax.jit
def _embed_lookup(table, ids):
    mesh = plsc.VectorSubcoreMesh(core_axis_name="c", subcore_axis_name="s")
    run = pl.kernel(
        _embed_body,
        mesh=mesh,
        out_type=jax.ShapeDtypeStruct((N_SEQ, L_SEQ, D_MODEL), jnp.float32),
        scratch_types=[
            pltpu.VMEM((_PER_W,), jnp.int32),
            pltpu.VMEM((_CHUNK, D_MODEL), jnp.float32),
            pltpu.VMEM((_CHUNK, D_MODEL), jnp.float32),
            pltpu.VMEM((_CHUNK, D_MODEL), jnp.float32),
            pltpu.VMEM((_CHUNK, D_MODEL), jnp.float32),
            pltpu.SemaphoreType.DMA,
            pltpu.SemaphoreType.DMA,
            pltpu.SemaphoreType.DMA,
            pltpu.SemaphoreType.DMA,
            pltpu.SemaphoreType.DMA,
            pltpu.SemaphoreType.DMA,
            pltpu.SemaphoreType.DMA,
            pltpu.SemaphoreType.DMA,
        ],
    )
    return run(table, ids)


def kernel(input_ids, is_node, node_features, edge_index, mapping, embed_weight):
    return _embed_lookup(embed_weight, input_ids)

# --- scband reference (transcript-rebuilt; emitter-appended) ---
"""Pipeline reference for scband-llama-embedding-41755672051879 (READ-ONLY COPY).

The authoritative reference and input builder live on the scoring server;
editing this copy changes nothing except your own understanding.
"""

import jax, jax.numpy as jnp
import numpy as np

VOCAB = 100000
D_MODEL = 1024

def setup_inputs(seed: int = 0) -> dict:
    key = jax.random.key(seed)
    k1, k2, k3, k4, k5 = jax.random.split(key, 5)
    input_ids = jax.random.randint(k1, (4, 4096), 0, VOCAB, dtype=jnp.int32)
    is_node = jnp.zeros((4, 4096), dtype=bool)
    node_features = jax.random.normal(k2, (10000, 128), dtype=jnp.float32)
    edge_index = jax.random.randint(k3, (2, 160000), 0, 10000, dtype=jnp.int32)
    mapping = jax.random.randint(k4, (4096,), 0, 16384, dtype=jnp.int32)
    # learned parameter: pretrained embedding table (frozen weights in torch's from_pretrained)
    embed_weight = jax.random.normal(k5, (VOCAB, D_MODEL), dtype=jnp.float32) * 0.02
    return {
        "input_ids": input_ids,
        "is_node": is_node,
        "node_features": node_features,
        "edge_index": edge_index,
        "mapping": mapping,
        "embed_weight": embed_weight,
    }

def reference(input_ids, is_node, node_features, edge_index, mapping, embed_weight):
    # LlamaEmbedding.forward: only an embedding lookup on input_ids; other args unused.
    inputs_embeds = jnp.take(embed_weight, input_ids, axis=0)
    return inputs_embeds

if __name__ == "__main__":
    import jax
    _d = setup_inputs()
    print(jax.jit(kernel)(*tuple(_d.values())))

</pallas_src>

<mosaic_0001>
#map = affine_map<(d0, d1) -> (0, 0)>
#map1 = affine_map<(d0, d1) -> (0, 0, 0)>
module attributes {stable_mosaic.version = 14 : i64} {
  func.func @_embed_body(%arg0: i32, %arg1: i32, %arg2: memref<100000x1024xf32, #tpu.memory_space<hbm>>, %arg3: memref<4x4096xi32, #tpu.memory_space<hbm>>, %arg4: memref<4x4096x1024xf32, #tpu.memory_space<hbm>>, %arg5: memref<512xi32, #tpu.memory_space<vmem>>, %arg6: memref<16x1024xf32, #tpu.memory_space<vmem>>, %arg7: memref<16x1024xf32, #tpu.memory_space<vmem>>, %arg8: memref<16x1024xf32, #tpu.memory_space<vmem>>, %arg9: memref<16x1024xf32, #tpu.memory_space<vmem>>, %arg10: memref<!tpu.dma_semaphore, #tpu.memory_space<semaphore_mem>>, %arg11: memref<!tpu.dma_semaphore, #tpu.memory_space<semaphore_mem>>, %arg12: memref<!tpu.dma_semaphore, #tpu.memory_space<semaphore_mem>>, %arg13: memref<!tpu.dma_semaphore, #tpu.memory_space<semaphore_mem>>, %arg14: memref<!tpu.dma_semaphore, #tpu.memory_space<semaphore_mem>>, %arg15: memref<!tpu.dma_semaphore, #tpu.memory_space<semaphore_mem>>, %arg16: memref<!tpu.dma_semaphore, #tpu.memory_space<semaphore_mem>>, %arg17: memref<!tpu.dma_semaphore, #tpu.memory_space<semaphore_mem>>) attributes {dimension_semantics = [#tpu.dimension_semantics<core_parallel>, #tpu.dimension_semantics<subcore_parallel>], iteration_bounds = array<i64: 2, 16>, scalar_prefetch = 0 : i64, scratch_operands = 13 : i64, tpu.core_type = #tpu.core_type<sc_vector_subcore>, window_params = [{transform_indices = #map}, {transform_indices = #map}, {transform_indices = #map1}]} {
    %mul3A = arith.constant 2 : i32
    %mul3A_0 = arith.muli %arg1, %mul3A : i32
    %add3A = arith.addi %mul3A_0, %arg0 : i32
    %jit3A = arith.constant 8 : i32
    %div3A = arith.divsi %add3A, %jit3A : i32
    %sign3A = arith.constant 0 : i32
    %sign3A_1 = arith.cmpi sgt, %add3A, %sign3A : i32
    %sign3A_2 = arith.extui %sign3A_1 : i1 to i32
    %sign3A_3 = arith.constant 0 : i32
    %sign3A_4 = arith.cmpi slt, %add3A, %sign3A_3 : i32
    %sign3A_5 = arith.extui %sign3A_4 : i1 to i32
    %sign3A_6 = arith.subi %sign3A_2, %sign3A_5 : i32
    %sign3A_7 = arith.constant 0 : i32
    %sign3A_8 = arith.cmpi sgt, %jit3A, %sign3A_7 : i32
    %sign3A_9 = arith.extui %sign3A_8 : i1 to i32
    %sign3A_10 = arith.constant 0 : i32
    %sign3A_11 = arith.cmpi slt, %jit3A, %sign3A_10 : i32
    %sign3A_12 = arith.extui %sign3A_11 : i1 to i32
    %sign3A_13 = arith.subi %sign3A_9, %sign3A_12 : i32
    %ne3A = arith.cmpi ne, %sign3A_6, %sign3A_13 : i32
    %rem3A = arith.remsi %add3A, %jit3A : i32
    %ne3A_14 = arith.constant 0 : i32
    %ne3A_15 = arith.cmpi ne, %rem3A, %ne3A_14 : i32
    %and3A = arith.andi %ne3A, %ne3A_15 : i1
    %sub3A = arith.constant 1 : i32
    %sub3A_16 = arith.subi %div3A, %sub3A : i32
    %select_n3A = arith.select %and3A, %sub3A_16, %div3A : i32
    %jit3A_17 = arith.constant 8 : i32
    %eq3A = arith.constant 0 : i32
    %eq3A_18 = arith.cmpi eq, %jit3A_17, %eq3A : i32
    %jit3A_19 = arith.constant 1 : i32
    %select_n3A_20 = arith.select %eq3A_18, %jit3A_19, %jit3A_17 : i32
    %rem3A_21 = arith.remsi %add3A, %select_n3A_20 : i32
    %ne3A_22 = arith.constant 0 : i32
    %ne3A_23 = arith.cmpi ne, %rem3A_21, %ne3A_22 : i32
    %lt3A = arith.constant 0 : i32
    %lt3A_24 = arith.cmpi slt, %rem3A_21, %lt3A : i32
    %lt3A_25 = arith.constant 0 : i32
    %lt3A_26 = arith.cmpi slt, %select_n3A_20, %lt3A_25 : i32
    %ne3A_27 = arith.xori %lt3A_24, %lt3A_26 : i1
    %and3A_28 = arith.andi %ne3A_27, %ne3A_23 : i1
    %add3A_29 = arith.addi %rem3A_21, %select_n3A_20 : i32
    %select_n3A_30 = arith.select %and3A_28, %add3A_29, %rem3A_21 : i32
    %mul3A_31 = arith.constant 512 : i32
    %mul3A_32 = arith.muli %select_n3A_30, %mul3A_31 : i32
    "tpu.region"() ({
      %run_scoped3A = tpu.sem_alloc : memref<!tpu.dma_semaphore, #tpu.memory_space<semaphore_mem>>
      %dma_start3A_57 = tpu.memref_slice %arg3[%select_n3A, %mul3A_32] : memref<4x4096xi32, #tpu.memory_space<hbm>> -> memref<1x512xi32, #tpu.memory_space<hbm>>
      %dma_start3A_58 = tpu.memref_squeeze %dma_start3A_57 : memref<1x512xi32, #tpu.memory_space<hbm>> -> memref<512xi32, #tpu.memory_space<hbm>>
      %dma_start3A_59 = tpu.memref_slice %arg3[%select_n3A, %mul3A_32] : memref<4x4096xi32, #tpu.memory_space<hbm>> -> memref<1x512xi32, #tpu.memory_space<hbm>>
      %dma_start3A_60 = tpu.memref_squeeze %dma_start3A_59 : memref<1x512xi32, #tpu.memory_space<hbm>> -> memref<512xi32, #tpu.memory_space<hbm>>
      tpu.enqueue_dma source(%dma_start3A_60 : memref<512xi32, #tpu.memory_space<hbm>>) target(%arg5 : memref<512xi32, #tpu.memory_space<vmem>>) target_semaphore(%run_scoped3A : memref<!tpu.dma_semaphore, #tpu.memory_space<semaphore_mem>>)
      %dma_wait3A = tpu.memref_slice %arg3[%select_n3A, %mul3A_32] : memref<4x4096xi32, #tpu.memory_space<hbm>> -> memref<1x512xi32, #tpu.memory_space<hbm>>
      %dma_wait3A_61 = tpu.memref_squeeze %dma_wait3A : memref<1x512xi32, #tpu.memory_space<hbm>> -> memref<512xi32, #tpu.memory_space<hbm>>
      %dma_wait3A_62 = tpu.memref_slice %arg3[%select_n3A, %mul3A_32] : memref<4x4096xi32, #tpu.memory_space<hbm>> -> memref<1x512xi32, #tpu.memory_space<hbm>>
      %dma_wait3A_63 = tpu.memref_squeeze %dma_wait3A_62 : memref<1x512xi32, #tpu.memory_space<hbm>> -> memref<512xi32, #tpu.memory_space<hbm>>
      tpu.wait_dma2 semaphore(%run_scoped3A : memref<!tpu.dma_semaphore, #tpu.memory_space<semaphore_mem>>) src(%dma_wait3A_63 : memref<512xi32, #tpu.memory_space<hbm>>) dst(%arg5 : memref<512xi32, #tpu.memory_space<vmem>>)
      tpu.yield
    }) : () -> ()
    %dma_start3A = arith.constant 0 : i32
    %dma_start3A_33 = tpu.memref_slice %arg5[%dma_start3A] : memref<512xi32, #tpu.memory_space<vmem>> -> memref<16xi32, #tpu.memory_space<vmem>>
    %dma_start3A_34 = arith.constant 0 : i32
    %dma_start3A_35 = arith.constant 0 : i32
    %dma_start3A_36 = tpu.memref_slice %arg2[%dma_start3A_34, %dma_start3A_35] : memref<100000x1024xf32, #tpu.memory_space<hbm>> -> memref<100000x1024xf32, #tpu.memory_space<hbm>>
    tpu.enqueue_indirect_dma source(%dma_start3A_36 : memref<100000x1024xf32, #tpu.memory_space<hbm>>) target(%arg6 : memref<16x1024xf32, #tpu.memory_space<vmem>>) offsets(%dma_start3A_33 : memref<16xi32, #tpu.memory_space<vmem>>) semaphore(%arg10 : memref<!tpu.dma_semaphore, #tpu.memory_space<semaphore_mem>>)
    %dma_start3A_37 = arith.constant 16 : i32
    %dma_start3A_38 = tpu.memref_slice %arg5[%dma_start3A_37] : memref<512xi32, #tpu.memory_space<vmem>> -> memref<16xi32, #tpu.memory_space<vmem>>
    %dma_start3A_39 = arith.constant 0 : i32
    %dma_start3A_40 = arith.constant 0 : i32
    %dma_start3A_41 = tpu.memref_slice %arg2[%dma_start3A_39, %dma_start3A_40] : memref<100000x1024xf32, #tpu.memory_space<hbm>> -> memref<100000x1024xf32, #tpu.memory_space<hbm>>
    tpu.enqueue_indirect_dma source(%dma_start3A_41 : memref<100000x1024xf32, #tpu.memory_space<hbm>>) target(%arg7 : memref<16x1024xf32, #tpu.memory_space<vmem>>) offsets(%dma_start3A_38 : memref<16xi32, #tpu.memory_space<vmem>>) semaphore(%arg11 : memref<!tpu.dma_semaphore, #tpu.memory_space<semaphore_mem>>)
    %dma_start3A_42 = arith.constant 32 : i32
    %dma_start3A_43 = tpu.memref_slice %arg5[%dma_start3A_42] : memref<512xi32, #tpu.memory_space<vmem>> -> memref<16xi32, #tpu.memory_space<vmem>>
    %dma_start3A_44 = arith.constant 0 : i32
    %dma_start3A_45 = arith.constant 0 : i32
    %dma_start3A_46 = tpu.memref_slice %arg2[%dma_start3A_44, %dma_start3A_45] : memref<100000x1024xf32, #tpu.memory_space<hbm>> -> memref<100000x1024xf32, #tpu.memory_space<hbm>>
    tpu.enqueue_indirect_dma source(%dma_start3A_46 : memref<100000x1024xf32, #tpu.memory_space<hbm>>) target(%arg8 : memref<16x1024xf32, #tpu.memory_space<vmem>>) offsets(%dma_start3A_43 : memref<16xi32, #tpu.memory_space<vmem>>) semaphore(%arg12 : memref<!tpu.dma_semaphore, #tpu.memory_space<semaphore_mem>>)
    %dma_start3A_47 = arith.constant 48 : i32
    %dma_start3A_48 = tpu.memref_slice %arg5[%dma_start3A_47] : memref<512xi32, #tpu.memory_space<vmem>> -> memref<16xi32, #tpu.memory_space<vmem>>
    %dma_start3A_49 = arith.constant 0 : i32
    %dma_start3A_50 = arith.constant 0 : i32
    %dma_start3A_51 = tpu.memref_slice %arg2[%dma_start3A_49, %dma_start3A_50] : memref<100000x1024xf32, #tpu.memory_space<hbm>> -> memref<100000x1024xf32, #tpu.memory_space<hbm>>
    tpu.enqueue_indirect_dma source(%dma_start3A_51 : memref<100000x1024xf32, #tpu.memory_space<hbm>>) target(%arg9 : memref<16x1024xf32, #tpu.memory_space<vmem>>) offsets(%dma_start3A_48 : memref<16xi32, #tpu.memory_space<vmem>>) semaphore(%arg13 : memref<!tpu.dma_semaphore, #tpu.memory_space<semaphore_mem>>)
    %scan3A = arith.constant 0 : i32
    %scan3A_52 = arith.constant 0 : i32
    %scan3A_53 = arith.constant 8 : i32
    %scan3A_54 = arith.addi %scan3A_52, %scan3A_53 : i32
    %scan3A_55 = arith.constant 1 : i32
    scf.for %scan3A_57 = %scan3A_52 to %scan3A_54 step %scan3A_55  : i32 {
      %mul3A_58 = arith.constant 4 : i32
      %mul3A_59 = arith.muli %mul3A_58, %scan3A_57 : i32
      %add3A_60 = arith.constant 0 : i32
      %add3A_61 = arith.addi %mul3A_59, %add3A_60 : i32
      %dma_wait3A = arith.constant 0 : i32
      %dma_wait3A_62 = arith.constant 0 : i32
      %dma_wait3A_63 = tpu.memref_slice %arg2[%dma_wait3A, %dma_wait3A_62] : memref<100000x1024xf32, #tpu.memory_space<hbm>> -> memref<16x1024xf32, #tpu.memory_space<hbm>>
      %dma_wait3A_64 = arith.constant 0 : i32
      %dma_wait3A_65 = arith.constant 0 : i32
      %dma_wait3A_66 = tpu.memref_slice %arg2[%dma_wait3A_64, %dma_wait3A_65] : memref<100000x1024xf32, #tpu.memory_space<hbm>> -> memref<16x1024xf32, #tpu.memory_space<hbm>>
      tpu.wait_dma2 semaphore(%arg10 : memref<!tpu.dma_semaphore, #tpu.memory_space<semaphore_mem>>) src(%dma_wait3A_66 : memref<16x1024xf32, #tpu.memory_space<hbm>>) dst(%arg6 : memref<16x1024xf32, #tpu.memory_space<vmem>>)
      %mul3A_67 = arith.constant 16 : i32
      %mul3A_68 = arith.muli %add3A_61, %mul3A_67 : i32
      %add3A_69 = arith.addi %mul3A_32, %mul3A_68 : i32
      %dma_start3A_70 = arith.constant 0 : i32
      %dma_start3A_71 = tpu.memref_slice %arg4[%select_n3A, %add3A_69, %dma_start3A_70] : memref<4x4096x1024xf32, #tpu.memory_space<hbm>> -> memref<1x16x1024xf32, #tpu.memory_space<hbm>>
      %dma_start3A_72 = tpu.memref_squeeze %dma_start3A_71 : memref<1x16x1024xf32, #tpu.memory_space<hbm>> -> memref<16x1024xf32, #tpu.memory_space<hbm>>
      %dma_start3A_73 = arith.constant 0 : i32
      %dma_start3A_74 = tpu.memref_slice %arg4[%select_n3A, %add3A_69, %dma_start3A_73] : memref<4x4096x1024xf32, #tpu.memory_space<hbm>> -> memref<1x16x1024xf32, #tpu.memory_space<hbm>>
      %dma_start3A_75 = tpu.memref_squeeze %dma_start3A_74 : memref<1x16x1024xf32, #tpu.memory_space<hbm>> -> memref<16x1024xf32, #tpu.memory_space<hbm>>
      tpu.enqueue_dma source(%arg6 : memref<16x1024xf32, #tpu.memory_space<vmem>>) target(%dma_start3A_75 : memref<16x1024xf32, #tpu.memory_space<hbm>>) target_semaphore(%arg14 : memref<!tpu.dma_semaphore, #tpu.memory_space<semaphore_mem>>)
      %dma_wait3A_76 = arith.constant 0 : i32
      %dma_wait3A_77 = tpu.memref_slice %arg4[%select_n3A, %mul3A_32, %dma_wait3A_76] : memref<4x4096x1024xf32, #tpu.memory_space<hbm>> -> memref<1x16x1024xf32, #tpu.memory_space<hbm>>
      %dma_wait3A_78 = tpu.memref_squeeze %dma_wait3A_77 : memref<1x16x1024xf32, #tpu.memory_space<hbm>> -> memref<16x1024xf32, #tpu.memory_space<hbm>>
      %dma_wait3A_79 = arith.constant 0 : i32
      %dma_wait3A_80 = tpu.memref_slice %arg4[%select_n3A, %mul3A_32, %dma_wait3A_79] : memref<4x4096x1024xf32, #tpu.memory_space<hbm>> -> memref<1x16x1024xf32, #tpu.memory_space<hbm>>
      %dma_wait3A_81 = tpu.memref_squeeze %dma_wait3A_80 : memref<1x16x1024xf32, #tpu.memory_space<hbm>> -> memref<16x1024xf32, #tpu.memory_space<hbm>>
      tpu.wait_dma2 semaphore(%arg14 : memref<!tpu.dma_semaphore, #tpu.memory_space<semaphore_mem>>) src(%arg6 : memref<16x1024xf32, #tpu.memory_space<vmem>>) dst(%dma_wait3A_81 : memref<16x1024xf32, #tpu.memory_space<hbm>>)
      %add3A_82 = arith.constant 4 : i32
      %add3A_83 = arith.addi %add3A_61, %add3A_82 : i32
      %lt3A_84 = arith.constant 32 : i32
      %lt3A_85 = arith.cmpi slt, %add3A_83, %lt3A_84 : i32
      %convert_element_type3A = arith.extui %lt3A_85 : i1 to i32
      %cond3A = arith.constant 0 : i32
      %cond3A_86 = arith.cmpi ne, %convert_element_type3A, %cond3A : i32
      scf.if %cond3A_86 {
        %add3A_183 = arith.constant 4 : i32
        %add3A_184 = arith.addi %add3A_61, %add3A_183 : i32
        %mul3A_185 = arith.constant 16 : i32
        %mul3A_186 = arith.muli %add3A_184, %mul3A_185 : i32
        %dma_start3A_187 = tpu.memref_slice %arg5[%mul3A_186] : memref<512xi32, #tpu.memory_space<vmem>> -> memref<16xi32, #tpu.memory_space<vmem>>
        %dma_start3A_188 = arith.constant 0 : i32
        %dma_start3A_189 = arith.constant 0 : i32
        %dma_start3A_190 = tpu.memref_slice %arg2[%dma_start3A_188, %dma_start3A_189] : memref<100000x1024xf32, #tpu.memory_space<hbm>> -> memref<100000x1024xf32, #tpu.memory_space<hbm>>
        tpu.enqueue_indirect_dma source(%dma_start3A_190 : memref<100000x1024xf32, #tpu.memory_space<hbm>>) target(%arg6 : memref<16x1024xf32, #tpu.memory_space<vmem>>) offsets(%dma_start3A_187 : memref<16xi32, #tpu.memory_space<vmem>>) semaphore(%arg10 : memref<!tpu.dma_semaphore, #tpu.memory_space<semaphore_mem>>)
      } else {
      }
      %mul3A_87 = arith.constant 4 : i32
      %mul3A_88 = arith.muli %mul3A_87, %scan3A_57 : i32
      %add3A_89 = arith.constant 1 : i32
      %add3A_90 = arith.addi %mul3A_88, %add3A_89 : i32
      %dma_wait3A_91 = arith.constant 0 : i32
      %dma_wait3A_92 = arith.constant 0 : i32
      %dma_wait3A_93 = tpu.memref_slice %arg2[%dma_wait3A_91, %dma_wait3A_92] : memref<100000x1024xf32, #tpu.memory_space<hbm>> -> memref<16x1024xf32, #tpu.memory_space<hbm>>
      %dma_wait3A_94 = arith.constant 0 : i32
      %dma_wait3A_95 = arith.constant 0 : i32
      %dma_wait3A_96 = tpu.memref_slice %arg2[%dma_wait3A_94, %dma_wait3A_95] : memref<100000x1024xf32, #tpu.memory_space<hbm>> -> memref<16x1024xf32, #tpu.memory_space<hbm>>
      tpu.wait_dma2 semaphore(%arg11 : memref<!tpu.dma_semaphore, #tpu.memory_space<semaphore_mem>>) src(%dma_wait3A_96 : memref<16x1024xf32, #tpu.memory_space<hbm>>) dst(%arg7 : memref<16x1024xf32, #tpu.memory_space<vmem>>)
      %mul3A_97 = arith.constant 16 : i32
      %mul3A_98 = arith.muli %add3A_90, %mul3A_97 : i32
      %add3A_99 = arith.addi %mul3A_32, %mul3A_98 : i32
      %dma_start3A_100 = arith.constant 0 : i32
      %dma_start3A_101 = tpu.memref_slice %arg4[%select_n3A, %add3A_99, %dma_start3A_100] : memref<4x4096x1024xf32, #tpu.memory_space<hbm>> -> memref<1x16x1024xf32, #tpu.memory_space<hbm>>
      %dma_start3A_102 = tpu.memref_squeeze %dma_start3A_101 : memref<1x16x1024xf32, #tpu.memory_space<hbm>> -> memref<16x1024xf32, #tpu.memory_space<hbm>>
      %dma_start3A_103 = arith.constant 0 : i32
      %dma_start3A_104 = tpu.memref_slice %arg4[%select_n3A, %add3A_99, %dma_start3A_103] : memref<4x4096x1024xf32, #tpu.memory_space<hbm>> -> memref<1x16x1024xf32, #tpu.memory_space<hbm>>
      %dma_start3A_105 = tpu.memref_squeeze %dma_start3A_104 : memref<1x16x1024xf32, #tpu.memory_space<hbm>> -> memref<16x1024xf32, #tpu.memory_space<hbm>>
      tpu.enqueue_dma source(%arg7 : memref<16x1024xf32, #tpu.memory_space<vmem>>) target(%dma_start3A_105 : memref<16x1024xf32, #tpu.memory_space<hbm>>) target_semaphore(%arg15 : memref<!tpu.dma_semaphore, #tpu.memory_space<semaphore_mem>>)
      %dma_wait3A_106 = arith.constant 0 : i32
      %dma_wait3A_107 = tpu.memref_slice %arg4[%select_n3A, %mul3A_32, %dma_wait3A_106] : memref<4x4096x1024xf32, #tpu.memory_space<hbm>> -> memref<1x16x1024xf32, #tpu.memory_space<hbm>>
      %dma_wait3A_108 = tpu.memref_squeeze %dma_wait3A_107 : memref<1x16x1024xf32, #tpu.memory_space<hbm>> -> memref<16x1024xf32, #tpu.memory_space<hbm>>
      %dma_wait3A_109 = arith.constant 0 : i32
      %dma_wait3A_110 = tpu.memref_slice %arg4[%select_n3A, %mul3A_32, %dma_wait3A_109] : memref<4x4096x1024xf32, #tpu.memory_space<hbm>> -> memref<1x16x1024xf32, #tpu.memory_space<hbm>>
      %dma_wait3A_111 = tpu.memref_squeeze %dma_wait3A_110 : memref<1x16x1024xf32, #tpu.memory_space<hbm>> -> memref<16x1024xf32, #tpu.memory_space<hbm>>
      tpu.wait_dma2 semaphore(%arg15 : memref<!tpu.dma_semaphore, #tpu.memory_space<semaphore_mem>>) src(%arg7 : memref<16x1024xf32, #tpu.memory_space<vmem>>) dst(%dma_wait3A_111 : memref<16x1024xf32, #tpu.memory_space<hbm>>)
      %add3A_112 = arith.constant 4 : i32
      %add3A_113 = arith.addi %add3A_90, %add3A_112 : i32
      %lt3A_114 = arith.constant 32 : i32
      %lt3A_115 = arith.cmpi slt, %add3A_113, %lt3A_114 : i32
      %convert_element_type3A_116 = arith.extui %lt3A_115 : i1 to i32
      %cond3A_117 = arith.constant 0 : i32
      %cond3A_118 = arith.cmpi ne, %convert_element_type3A_116, %cond3A_117 : i32
      scf.if %cond3A_118 {
        %add3A_183 = arith.constant 4 : i32
        %add3A_184 = arith.addi %add3A_90, %add3A_183 : i32
        %mul3A_185 = arith.constant 16 : i32
        %mul3A_186 = arith.muli %add3A_184, %mul3A_185 : i32
        %dma_start3A_187 = tpu.memref_slice %arg5[%mul3A_186] : memref<512xi32, #tpu.memory_space<vmem>> -> memref<16xi32, #tpu.memory_space<vmem>>
        %dma_start3A_188 = arith.constant 0 : i32
        %dma_start3A_189 = arith.constant 0 : i32
        %dma_start3A_190 = tpu.memref_slice %arg2[%dma_start3A_188, %dma_start3A_189] : memref<100000x1024xf32, #tpu.memory_space<hbm>> -> memref<100000x1024xf32, #tpu.memory_space<hbm>>
        tpu.enqueue_indirect_dma source(%dma_start3A_190 : memref<100000x1024xf32, #tpu.memory_space<hbm>>) target(%arg7 : memref<16x1024xf32, #tpu.memory_space<vmem>>) offsets(%dma_start3A_187 : memref<16xi32, #tpu.memory_space<vmem>>) semaphore(%arg11 : memref<!tpu.dma_semaphore, #tpu.memory_space<semaphore_mem>>)
      } else {
      }
      %mul3A_119 = arith.constant 4 : i32
      %mul3A_120 = arith.muli %mul3A_119, %scan3A_57 : i32
      %add3A_121 = arith.constant 2 : i32
      %add3A_122 = arith.addi %mul3A_120, %add3A_121 : i32
      %dma_wait3A_123 = arith.constant 0 : i32
      %dma_wait3A_124 = arith.constant 0 : i32
      %dma_wait3A_125 = tpu.memref_slice %arg2[%dma_wait3A_123, %dma_wait3A_124] : memref<100000x1024xf32, #tpu.memory_space<hbm>> -> memref<16x1024xf32, #tpu.memory_space<hbm>>
      %dma_wait3A_126 = arith.constant 0 : i32
      %dma_wait3A_127 = arith.constant 0 : i32
      %dma_wait3A_128 = tpu.memref_slice %arg2[%dma_wait3A_126, %dma_wait3A_127] : memref<100000x1024xf32, #tpu.memory_space<hbm>> -> memref<16x1024xf32, #tpu.memory_space<hbm>>
      tpu.wait_dma2 semaphore(%arg12 : memref<!tpu.dma_semaphore, #tpu.memory_space<semaphore_mem>>) src(%dma_wait3A_128 : memref<16x1024xf32, #tpu.memory_space<hbm>>) dst(%arg8 : memref<16x1024xf32, #tpu.memory_space<vmem>>)
      %mul3A_129 = arith.constant 16 : i32
      %mul3A_130 = arith.muli %add3A_122, %mul3A_129 : i32
      %add3A_131 = arith.addi %mul3A_32, %mul3A_130 : i32
      %dma_start3A_132 = arith.constant 0 : i32
      %dma_start3A_133 = tpu.memref_slice %arg4[%select_n3A, %add3A_131, %dma_start3A_132] : memref<4x4096x1024xf32, #tpu.memory_space<hbm>> -> memref<1x16x1024xf32, #tpu.memory_space<hbm>>
      %dma_start3A_134 = tpu.memref_squeeze %dma_start3A_133 : memref<1x16x1024xf32, #tpu.memory_space<hbm>> -> memref<16x1024xf32, #tpu.memory_space<hbm>>
      %dma_start3A_135 = arith.constant 0 : i32
      %dma_start3A_136 = tpu.memref_slice %arg4[%select_n3A, %add3A_131, %dma_start3A_135] : memref<4x4096x1024xf32, #tpu.memory_space<hbm>> -> memref<1x16x1024xf32, #tpu.memory_space<hbm>>
      %dma_start3A_137 = tpu.memref_squeeze %dma_start3A_136 : memref<1x16x1024xf32, #tpu.memory_space<hbm>> -> memref<16x1024xf32, #tpu.memory_space<hbm>>
      tpu.enqueue_dma source(%arg8 : memref<16x1024xf32, #tpu.memory_space<vmem>>) target(%dma_start3A_137 : memref<16x1024xf32, #tpu.memory_space<hbm>>) target_semaphore(%arg16 : memref<!tpu.dma_semaphore, #tpu.memory_space<semaphore_mem>>)
      %dma_wait3A_138 = arith.constant 0 : i32
      %dma_wait3A_139 = tpu.memref_slice %arg4[%select_n3A, %mul3A_32, %dma_wait3A_138] : memref<4x4096x1024xf32, #tpu.memory_space<hbm>> -> memref<1x16x1024xf32, #tpu.memory_space<hbm>>
      %dma_wait3A_140 = tpu.memref_squeeze %dma_wait3A_139 : memref<1x16x1024xf32, #tpu.memory_space<hbm>> -> memref<16x1024xf32, #tpu.memory_space<hbm>>
      %dma_wait3A_141 = arith.constant 0 : i32
      %dma_wait3A_142 = tpu.memref_slice %arg4[%select_n3A, %mul3A_32, %dma_wait3A_141] : memref<4x4096x1024xf32, #tpu.memory_space<hbm>> -> memref<1x16x1024xf32, #tpu.memory_space<hbm>>
      %dma_wait3A_143 = tpu.memref_squeeze %dma_wait3A_142 : memref<1x16x1024xf32, #tpu.memory_space<hbm>> -> memref<16x1024xf32, #tpu.memory_space<hbm>>
      tpu.wait_dma2 semaphore(%arg16 : memref<!tpu.dma_semaphore, #tpu.memory_space<semaphore_mem>>) src(%arg8 : memref<16x1024xf32, #tpu.memory_space<vmem>>) dst(%dma_wait3A_143 : memref<16x1024xf32, #tpu.memory_space<hbm>>)
      %add3A_144 = arith.constant 4 : i32
      %add3A_145 = arith.addi %add3A_122, %add3A_144 : i32
      %lt3A_146 = arith.constant 32 : i32
      %lt3A_147 = arith.cmpi slt, %add3A_145, %lt3A_146 : i32
      %convert_element_type3A_148 = arith.extui %lt3A_147 : i1 to i32
      %cond3A_149 = arith.constant 0 : i32
      %cond3A_150 = arith.cmpi ne, %convert_element_type3A_148, %cond3A_149 : i32
      scf.if %cond3A_150 {
        %add3A_183 = arith.constant 4 : i32
        %add3A_184 = arith.addi %add3A_122, %add3A_183 : i32
        %mul3A_185 = arith.constant 16 : i32
        %mul3A_186 = arith.muli %add3A_184, %mul3A_185 : i32
        %dma_start3A_187 = tpu.memref_slice %arg5[%mul3A_186] : memref<512xi32, #tpu.memory_space<vmem>> -> memref<16xi32, #tpu.memory_space<vmem>>
        %dma_start3A_188 = arith.constant 0 : i32
        %dma_start3A_189 = arith.constant 0 : i32
        %dma_start3A_190 = tpu.memref_slice %arg2[%dma_start3A_188, %dma_start3A_189] : memref<100000x1024xf32, #tpu.memory_space<hbm>> -> memref<100000x1024xf32, #tpu.memory_space<hbm>>
        tpu.enqueue_indirect_dma source(%dma_start3A_190 : memref<100000x1024xf32, #tpu.memory_space<hbm>>) target(%arg8 : memref<16x1024xf32, #tpu.memory_space<vmem>>) offsets(%dma_start3A_187 : memref<16xi32, #tpu.memory_space<vmem>>) semaphore(%arg12 : memref<!tpu.dma_semaphore, #tpu.memory_space<semaphore_mem>>)
      } else {
      }
      %mul3A_151 = arith.constant 4 : i32
      %mul3A_152 = arith.muli %mul3A_151, %scan3A_57 : i32
      %add3A_153 = arith.constant 3 : i32
      %add3A_154 = arith.addi %mul3A_152, %add3A_153 : i32
      %dma_wait3A_155 = arith.constant 0 : i32
      %dma_wait3A_156 = arith.constant 0 : i32
      %dma_wait3A_157 = tpu.memref_slice %arg2[%dma_wait3A_155, %dma_wait3A_156] : memref<100000x1024xf32, #tpu.memory_space<hbm>> -> memref<16x1024xf32, #tpu.memory_space<hbm>>
      %dma_wait3A_158 = arith.constant 0 : i32
      %dma_wait3A_159 = arith.constant 0 : i32
      %dma_wait3A_160 = tpu.memref_slice %arg2[%dma_wait3A_158, %dma_wait3A_159] : memref<100000x1024xf32, #tpu.memory_space<hbm>> -> memref<16x1024xf32, #tpu.memory_space<hbm>>
      tpu.wait_dma2 semaphore(%arg13 : memref<!tpu.dma_semaphore, #tpu.memory_space<semaphore_mem>>) src(%dma_wait3A_160 : memref<16x1024xf32, #tpu.memory_space<hbm>>) dst(%arg9 : memref<16x1024xf32, #tpu.memory_space<vmem>>)
      %mul3A_161 = arith.constant 16 : i32
      %mul3A_162 = arith.muli %add3A_154, %mul3A_161 : i32
      %add3A_163 = arith.addi %mul3A_32, %mul3A_162 : i32
      %dma_start3A_164 = arith.constant 0 : i32
      %dma_start3A_165 = tpu.memref_slice %arg4[%select_n3A, %add3A_163, %dma_start3A_164] : memref<4x4096x1024xf32, #tpu.memory_space<hbm>> -> memref<1x16x1024xf32, #tpu.memory_space<hbm>>
      %dma_start3A_166 = tpu.memref_squeeze %dma_start3A_165 : memref<1x16x1024xf32, #tpu.memory_space<hbm>> -> memref<16x1024xf32, #tpu.memory_space<hbm>>
      %dma_start3A_167 = arith.constant 0 : i32
      %dma_start3A_168 = tpu.memref_slice %arg4[%select_n3A, %add3A_163, %dma_start3A_167] : memref<4x4096x1024xf32, #tpu.memory_space<hbm>> -> memref<1x16x1024xf32, #tpu.memory_space<hbm>>
      %dma_start3A_169 = tpu.memref_squeeze %dma_start3A_168 : memref<1x16x1024xf32, #tpu.memory_space<hbm>> -> memref<16x1024xf32, #tpu.memory_space<hbm>>
      tpu.enqueue_dma source(%arg9 : memref<16x1024xf32, #tpu.memory_space<vmem>>) target(%dma_start3A_169 : memref<16x1024xf32, #tpu.memory_space<hbm>>) target_semaphore(%arg17 : memref<!tpu.dma_semaphore, #tpu.memory_space<semaphore_mem>>)
      %dma_wait3A_170 = arith.constant 0 : i32
      %dma_wait3A_171 = tpu.memref_slice %arg4[%select_n3A, %mul3A_32, %dma_wait3A_170] : memref<4x4096x1024xf32, #tpu.memory_space<hbm>> -> memref<1x16x1024xf32, #tpu.memory_space<hbm>>
      %dma_wait3A_172 = tpu.memref_squeeze %dma_wait3A_171 : memref<1x16x1024xf32, #tpu.memory_space<hbm>> -> memref<16x1024xf32, #tpu.memory_space<hbm>>
      %dma_wait3A_173 = arith.constant 0 : i32
      %dma_wait3A_174 = tpu.memref_slice %arg4[%select_n3A, %mul3A_32, %dma_wait3A_173] : memref<4x4096x1024xf32, #tpu.memory_space<hbm>> -> memref<1x16x1024xf32, #tpu.memory_space<hbm>>
      %dma_wait3A_175 = tpu.memref_squeeze %dma_wait3A_174 : memref<1x16x1024xf32, #tpu.memory_space<hbm>> -> memref<16x1024xf32, #tpu.memory_space<hbm>>
      tpu.wait_dma2 semaphore(%arg17 : memref<!tpu.dma_semaphore, #tpu.memory_space<semaphore_mem>>) src(%arg9 : memref<16x1024xf32, #tpu.memory_space<vmem>>) dst(%dma_wait3A_175 : memref<16x1024xf32, #tpu.memory_space<hbm>>)
      %add3A_176 = arith.constant 4 : i32
      %add3A_177 = arith.addi %add3A_154, %add3A_176 : i32
      %lt3A_178 = arith.constant 32 : i32
      %lt3A_179 = arith.cmpi slt, %add3A_177, %lt3A_178 : i32
      %convert_element_type3A_180 = arith.extui %lt3A_179 : i1 to i32
      %cond3A_181 = arith.constant 0 : i32
      %cond3A_182 = arith.cmpi ne, %convert_element_type3A_180, %cond3A_181 : i32
      scf.if %cond3A_182 {
        %add3A_183 = arith.constant 4 : i32
        %add3A_184 = arith.addi %add3A_154, %add3A_183 : i32
        %mul3A_185 = arith.constant 16 : i32
        %mul3A_186 = arith.muli %add3A_184, %mul3A_185 : i32
        %dma_start3A_187 = tpu.memref_slice %arg5[%mul3A_186] : memref<512xi32, #tpu.memory_space<vmem>> -> memref<16xi32, #tpu.memory_space<vmem>>
        %dma_start3A_188 = arith.constant 0 : i32
        %dma_start3A_189 = arith.constant 0 : i32
        %dma_start3A_190 = tpu.memref_slice %arg2[%dma_start3A_188, %dma_start3A_189] : memref<100000x1024xf32, #tpu.memory_space<hbm>> -> memref<100000x1024xf32, #tpu.memory_space<hbm>>
        tpu.enqueue_indirect_dma source(%dma_start3A_190 : memref<100000x1024xf32, #tpu.memory_space<hbm>>) target(%arg9 : memref<16x1024xf32, #tpu.memory_space<vmem>>) offsets(%dma_start3A_187 : memref<16xi32, #tpu.memory_space<vmem>>) semaphore(%arg13 : memref<!tpu.dma_semaphore, #tpu.memory_space<semaphore_mem>>)
      } else {
      }
    }
    %scan3A_56 = arith.constant 8 : i32
    return
  }
}

</mosaic_0001>

<sc_bundles>
// kernel: _embed_lookup.3.cloned.1.call-start
scs
__scs_entry_jumppad:
0x0: {  	(pc) =	sbr.rel $0x88, $3  }
0x1: {  	(tag) =	ssettag $0x0;
	lr =	simm.s32 $0x1  }
0x2: {  	[smem:$0x3F9F] =	sst lr;
	_ =	strace $0xD0000000  }
0x3: {  	_ = 	snop  }
0x4: {  	_ = 	snop  }
0x5: {  	_ = 	snop  }
0x6: {  	_ = 	snop  }
0x7: {  	_ = 	snop  }
__scs_overlays_trampoline_lowered:
0x8: {  	[smem:$0x3FAE] =	sst s0  }
0x9: {  	[smem:$0x3FAF] =	sst s1  }
0xa: {  	[smem:$0x3FB0] =	sst s2  }
0xb: {  	[smem:$0x3FB1] =	sst s3  }
0xc: {  	[smem:$0x3FB2] =	sst s4  }
0xd: {  	[smem:$0x3FB3] =	sst s5  }
0xe: {  	[smem:$0x3FB4] =	sst s6  }
0xf: {  	[smem:$0x3FB5] =	sst s7  }
0x10: {  	[smem:$0x3FB6] =	sst s8  }
0x11: {  	[smem:$0x3FB7] =	sst s9;
	s0 =	simm.s32 @!p0 $0x0  }
0x12: {  	s1 =	sld [smem:$0x3F9D];
	s0 =	simm.s32 @p0 $0x1  }
0x13: {  	[smem:$0x3FB8] =	sst s0;
	s0 =	simm.s32 @!p1 $0x0  }
0x14: {  	s2 =	sld [smem:$0x3F9C];
	s0 =	simm.s32 @p1 $0x1  }
0x15: {  	[smem:$0x3FB9] =	sst s0;
	s0 =	simm.s32 @!p2 $0x0  }
0x16: {  	s3 =	sld [smem:$0x3FDB];
	s0 =	simm.s32 @p2 $0x1  }
0x17: {  	s4 =	simm.s32 $0x1BF5;
	[smem:$0x3FBB] =	sst s0  }
0x18: {  	s0 =	sld [smem:$0x3F9E];
	_ =	swait.ge [sflag:s4], $0x0  }
0x19: {  	s7 =	sld [smem:$0x3F9F]  }
0x1a: {  	s8 =	sadd.s32 $0xFFFFE003, lr  }
0x1b: {  	s9 =	sadd.s32 $0xFFFFFEF7, lr;
	s5 =	simm.s32 $0xFFFFFFFF;
	p2 =	slt.u32 s8, $0xFFFFF086  }
0x1c: {  	p1 =	slt.u32 s9, $0xF7A;
	s5 =	simm.s32 @!p2 $0x0  }
0x1d: {  	s5 =	simm.s32 @p1 $0x1;
	p0 =	seq.s32 s7, s2  }
0x1e: {  	s7 =	smul.u32 @!p0 $0xF7A, s2;
	p2 =	seq.s32 @!p0 s5, $0x0  }
0x1f: {  	s9 =	smul.u32 $0xF7A, s1;
	s8 =	simm.s32 @!p0 $0x1BF5;
	p2 =	por !p2, p0  }
0x20: {  	[sflag:s8] =	ssyncset.s32 @!p0 $0xFFFFF086;
	s6 =	sadd.s32 @!p0 s3, s7;
	s7 =	simm.s32 @!p0 $0x108  }
0x21: {  	s3 =	sadd.s32 s3, s9;
	s6 =	sadd.s32 @!p0 $0x88, s6;
	s7 =	simm.s32 @p2 $0x1082  }
0x22: {  	[simem:s7], [sflag:s8] =	dma.local @!p0 [hbm:s6], $0xF7A  }
0x23: {  	s9 =	sor.u32 $0xD0000000, s2;
	s6 =	simm.s32 $0x108;
	_ =	swait.ge @!p0 [sflag:s8], $0x0  }
0x24: {  	s3 =	sadd.s32 $0x88, s3;
	s6 =	simm.s32 @!p1 $0x1082;
	[sflag:s4] =	ssyncset.s32 $0xFFFFF086  }
0x25: {  	[simem:s6], [sflag:s4] =	dma.local [hbm:s3], $0xF7A  }
0x26: {  	[smem:$0x3F9F] =	sst s1;
	(tag) =	ssettag s2;
	_ =	strace s9  }
0x27: {  	s1 =	sld [smem:$0x3FAF]  }
0x28: {  	s2 =	sld [smem:$0x3FB0]  }
0x29: {  	s4 =	sld [smem:$0x3FB2]  }
0x2a: {  	p0 =	seq.s32 s5, $0x0;
	s5 =	sld [smem:$0x3FB3]  }
0x2b: {  	s6 =	sld [smem:$0x3FB4]  }
0x2c: {  	s7 =	sld [smem:$0x3FB5]  }
0x2d: {  	s3 =	simm.s32 $0x108;
	s8 =	sld [smem:$0x3FB6]  }
0x2e: {  	s3 =	simm.s32 @!p0 $0x1082;
	s9 =	sld [smem:$0x3FB7]  }
0x2f: {  	lr =	sadd.s32 s0, s3;
	s0 =	sld [smem:$0x3FAE]  }
0x30: {  	s3 =	sld [smem:$0x3FB1]  }
0x31: {  	[smem:$0x3FBA] =	sst s10  }
0x32: {  	s10 =	sld [smem:$0x3FB8];
	_ =	sdelay $0x3  }
0x33: {  	p0 =	seq.s32 s10, $0x1;
	s10 =	sld [smem:$0x3FBA];
	_ =	sdelay $0x3  }
0x34: {  	[smem:$0x3FBA] =	sst s10  }
0x35: {  	s10 =	sld [smem:$0x3FB9];
	_ =	sdelay $0x3  }
0x36: {  	p1 =	seq.s32 s10, $0x1;
	s10 =	sld [smem:$0x3FBA];
	_ =	sdelay $0x3  }
0x37: {  	[smem:$0x3FBA] =	sst s10  }
0x38: {  	s10 =	sld [smem:$0x3FBB]  }
0x39: {  	_ = 	snop;
	(pc) =	sbr.ind lr, $3  }
0x3a: {  	_ = 	snop  }
0x3b: {  	_ = 	snop  }
0x3c: {  	p2 =	seq.s32 s10, $0x1;
	s10 =	sld [smem:$0x3FBA]  }
0x3d: {  	_ =	shalt  }
0x3e: {  	_ =	shalt  }
0x3f: {  	_ =	shalt  }
0x40: {  	_ =	shalt  }
0x41: {  	_ =	shalt  }
0x42: {  	_ =	shalt  }
0x43: {  	_ =	shalt  }
0x44: {  	_ =	shalt  }
0x45: {  	_ =	shalt  }
0x46: {  	_ =	shalt  }
0x47: {  	_ =	shalt  }
0x48: {  	_ =	shalt  }
0x49: {  	_ =	shalt  }
0x4a: {  	_ =	shalt  }
0x4b: {  	_ =	shalt  }
0x4c: {  	_ =	shalt  }
0x4d: {  	_ =	shalt  }
0x4e: {  	_ =	shalt  }
0x4f: {  	_ =	shalt  }
0x50: {  	_ =	shalt  }
0x51: {  	_ =	shalt  }
0x52: {  	_ =	shalt  }
0x53: {  	_ =	shalt  }
0x54: {  	_ =	shalt  }
0x55: {  	_ =	shalt  }
0x56: {  	_ =	shalt  }
0x57: {  	_ =	shalt  }
0x58: {  	_ =	shalt  }
0x59: {  	_ =	shalt  }
0x5a: {  	_ =	shalt  }
0x5b: {  	_ =	shalt  }
0x5c: {  	_ =	shalt  }
0x5d: {  	_ =	shalt  }
0x5e: {  	_ =	shalt  }
0x5f: {  	_ =	shalt  }
0x60: {  	_ =	shalt  }
0x61: {  	_ =	shalt  }
0x62: {  	_ =	shalt  }
0x63: {  	_ =	shalt  }
0x64: {  	_ =	shalt  }
0x65: {  	_ =	shalt  }
0x66: {  	_ =	shalt  }
0x67: {  	_ =	shalt  }
0x68: {  	_ =	shalt  }
0x69: {  	_ =	shalt  }
0x6a: {  	_ =	shalt  }
0x6b: {  	_ =	shalt  }
0x6c: {  	_ =	shalt  }
0x6d: {  	_ =	shalt  }
0x6e: {  	_ =	shalt  }
0x6f: {  	_ =	shalt  }
0x70: {  	_ =	shalt  }
0x71: {  	_ =	shalt  }
0x72: {  	_ =	shalt  }
0x73: {  	_ =	shalt  }
0x74: {  	_ =	shalt  }
0x75: {  	_ =	shalt  }
0x76: {  	_ =	shalt  }
0x77: {  	_ =	shalt  }
0x78: {  	_ =	shalt  }
0x79: {  	_ =	shalt  }
0x7a: {  	_ =	shalt  }
0x7b: {  	_ =	shalt  }
0x7c: {  	_ =	shalt  }
0x7d: {  	_ =	shalt  }
0x7e: {  	_ =	shalt  }
0x7f: {  	_ =	shalt  }
0x80: {  	_ =	shalt  }
0x81: {  	_ =	shalt  }
0x82: {  	_ =	shalt  }
0x83: {  	_ =	shalt  }
0x84: {  	_ =	shalt  }
0x85: {  	_ =	shalt  }
0x86: {  	_ =	shalt  }
0x87: {  	_ =	shalt  }
.Lfunc_end0:
.L_simem_size_0:
called_computation_lowered:
.L_overlay_start_0:
0x88: {  	s2 =	sld [smem:$0x3FD9]  }
0x89: {  	s3 =	sld [smem:$0x3FFE];
	_ =	sdelay $0x1  }
0x8a: {  	s1 =	srdreg.scid  }
0x8b: {  	s0 =	sand.u32 $0x1, s1  }
0x8c: {  	s18 =	sshll.u32 s0, $0xA;
	s2 =	sadd.s32 s3, s2  }
0x8d: {  	s2 =	sadd.s32 s2, s18  }
0x8e: {  	[smem:$0x3FC6] =	sst s2  }
0x8f: {  	_ = 	snop  }
0x90: {  	s2 =	sld [smem:$0x3FC9]  }
0x91: {  	s19 =	sld [smem:$0x3FC8]  }
0x92: {  	s4 =	sld [smem:$0x3FD0];
	(tm) =	ssettm $0x1  }
0x93: {  	s5 =	sld [smem:$0x3FFB];
	_ =	sdelay $0x3  }
0x94: {  	_ =	strace s5  }
0x95: {  	s5 =	sld [smem:$0x3FFC];
	_ =	sdelay $0x3  }
0x96: {  	_ =	strace s5  }
0x97: {  	s5 =	sld [smem:$0x3FFD];
	_ =	sdelay $0x3  }
0x98: {  	_ =	strace s5  }
0x99: {  	_ =	strace $0x8FFFFFFF  }
0x9a: {  	s20 =	sld [smem:$0x3FDB];
	_ =	sdelay $0x1  }
0x9b: {  	s6 =	simm.s32 $_scs_section_size  }
0x9c: {  	s7 =	simm.s32 $_size__tile_overlayer_lowered;
	s8 =	simm.s32 $_tile_overlayer_lowered  }
0x9d: {  	s23 =	simm.s32 $0x1BFF;
	s22 =	sshll.u32 s8, $0x1;
	s5 =	sadd.s32 s6, s20  }
0x9e: {  	s9 =	simm.s32 $0x0;
	s21 =	sshll.u32 s7, $0x1;
	s7 =	sadd.s32 s22, s5  }
0x9f: {  	[timem:s9], [sflag:s23] =	dma.local [hbm:s7], s21  }
0xa0: {  	_ =	swait.ge [sflag:s23], s21  }
0xa1: {  	s6 =	ssub.s32 $0x0, s21;
	[sflag:s23] =	ssyncset.done $0x0  }
0xa2: {  	[sflag:s23] =	ssyncadd.s32 s6;
	_ =	sdelay $0x1  }
0xa3: {  	s24 =	simm.s32 $0x1B8B  }
0xa4: {  	_ =	swait.ge [sflag:s24], $0x1  }
0xa5: {  	[sflag:s24] =	ssyncset.done $0x0  }
0xa6: {  	s25 =	simm.s32 $0x1B8E;
	[sflag:s24] =	ssyncadd.s32 $0xFFFFFFFF  }
0xa7: {  	s26 =	simm.s32 $execute0_lowered;
	[smem:$0x3FD2] =	sst s25  }
0xa8: {  	s6 =	sshll.u32 s26, $0x1;
	_ =	strace $0x80000046;
	[dreg:$0x1] =	wrdreg $0xFFFFFFFF  }
0xa9: {  	s28 =	simm.s32 $_size_execute0_lowered;
	s5 =	sadd.s32 s5, s6;
	[dreg:$0x0] =	wrdreg $0x0  }
0xaa: {  	s6 =	sshll.u32 s28, $0x1;
	[dreg:$0x2] =	wrdreg s5  }
0xab: {  	[dreg:$0x3] =	wrdreg s6  }
0xac: {  	[dreg:$0x4] =	wrdreg $0xC0  }
0xad: {  	_ =	task [dreg:s9], $0x5FFFF  }
0xae: {  	[dreg:$0x1] =	wrdreg $0xFFFFFFFF  }
0xaf: {  	[dreg:$0x0] =	wrdreg $0x60  }
0xb0: {  	[dreg:$0x2] =	wrdreg s2  }
0xb1: {  	[dreg:$0x3] =	wrdreg s19  }
0xb2: {  	[dreg:$0x4] =	wrdreg s4  }
0xb3: {  	[dreg:$0x5] =	wrdreg $0x9  }
0xb4: {  	_ =	task.clear_ibuf [dreg:s9], $0x6FFFF;
	_ =	strace $0x90000046  }
0xb5: {  	s29 =	simm.s32 $0x9;
	_ =	strace $0x80000048  }
0xb6: {  	_ =	swait.ge [sflag:s29], $0x1  }
0xb7: {  	[sflag:s29] =	ssyncadd.s32 $0xFFFFFFFF  }
0xb8: {  	_ =	strace $0x90000048  }
0xb9: {  	_ =	sfence  }
0xba: {  	s30 =	sld [smem:$0x0];
	_ =	sdelay $0x2  }
0xbb: {  	s31 =	sshll.u32 s1, $0xD;
	s1 =	sshrl.u32 s1, $0x2  }
0xbc: {  	s3 =	sand.u32 $0x4000, s31;
	s1 =	sadd.s32 s1, s30  }
0xbd: {  	s0 =	sor.u32 s3, s0;
	s1 =	sshll.u32 s1, $0x11  }
0xbe: {  	s0 =	sor.u32 s1, s0  }
0xbf: {  	s0 =	sadd.s32 $0x8F2B, s0  }
0xc0: {  	[sflag:s0] =	ssyncadd.remote.s32 $0x1  }
0xc1: {  	_ =	sfence.sel $0xFFFF  }
0xc2: {  	[dreg:$0x0] =	wrdreg $0xFFFFFFFF;
	(pc) =	sbr.abs _section_cstart, $3  }
0xc3: {  	[dreg:$0x1] =	wrdreg $0xFFFFFFFF  }
0xc4: {  	_ =	task.clear_ibuf [dreg:s9], $0x2FFFF;
	_ =	strace $0x9FFFFFFF  }
0xc5: {  	(tm) =	ssettm $0x7FFFFFFF  }
tec
execute0_lowered:
.L_overlay_start_1:
0x0: {  	(tag) =	ssettag $0x1  }
0x1: {  	s1 =	rddreg [dreg:$0x0]  }
0x2: {  	s0 =	rddreg [dreg:$0x1]  }
0x3: {  	s2 =	rddreg [dreg:$0x2]  }
0x4: {  	s3 =	srdreg.scid;
	s9 =	stileid.u32  }
0x5: {  	s28 =	simm.s32 $0xEA00;
	s29 =	simm.s32 $0xF200;
	s30 =	simm.s32 $0xFA00  }
0x6: {  	s31 =	simm.s32 $0x1;
	s13 =	simm.s32 $0x2;
	s16 =	simm.s32 $0x6  }
0x7: {  	s17 =	simm.s32 $0x3;
	s4 =	sand.u32 $0x1, s3;
	s3 =	simm.s32 $0x0  }
0x8: {  	s6 =	sshll.u32 s9, $0x1;
	s19 =	sshrl.u32 s9, $0x2;
	s20 =	sand.u32 $0x3, s9  }
0x9: {  	s5 =	ssub.s32 $0x2, s4;
	[smem:$0x7FF] =	sst s3;
	s6 =	sand.u32 $0x6, s6  }
0xa: {  	s21 =	sshll.u32 s19, $0x4;
	s7 =	sshrl.u32 s5, $0x1;
	_ =	strace $0x80000047  }
0xb: {  	s18 =	sor.u32 s4, s6;
	s6 =	sshll.u32 s19, $0x16;
	s0 =	sadd.s32 s0, s21  }
0xc: {  	s4 =	sshll.u32 s4, $0x13;
	s21 =	simm.s32 $0xC200;
	s19 =	simm.s32 $0x4  }
0xd: {  	s8 =	ssub.s32 s5, s7;
	s5 =	sshll.u32 s18, $0x8;
	s7 =	sshll.u32 s20, $0x14  }
0xe: {  	s18 =	simm.s32 $0x7;
	s20 =	simm.s32 $0x8;
	s6 =	sor.u32 s7, s6  }
0xf: {  	s0 =	sadd.s32 s5, s0;
	s5 =	sadd.s32 $0x100, s1;
	s7 =	sadd.s32 $0x300, s1  }
0x10: {  	s8 =	smax.u32 s8, $0x1;
	[dreg:$0x4] =	wrdreg s0;
	s22 =	sor.u32 s4, s6  }
0x11: {  	s6 =	sadd.s32 $0x200, s1;
	[dreg:$0x5] =	wrdreg s8;
	s4 =	sor.u32 $0xC000, s22  }
0x12: {  	s23 =	sor.u32 $0x8000, s22;
	s25 =	sor.u32 $0x4000, s22;
	s0 =	sshrl.u32 s22, $0x3  }
.Ltmp0:
0x13: {  	s22 =	simm.s32 $0xCA00;
	s4 =	sshrl.u32 s4, $0x3;
	(pc) =	sbr.rel .LBB2_1-.Ltmp0, $4  }
0x14: {  	s24 =	sshrl.u32 s23, $0x3;
	s26 =	sshrl.u32 s25, $0x3;
	s12 =	sadd.s32 s0, s2  }
0x15: {  	v2 =	vlaneseq.u32;
	s25 =	simm.s32 $0xDA00;
	s0 =	simm.s32 $0x0;
	s23 =	simm.s32 $0x200  }
0x16: {  	vm0 =	vmmov $0xffff;
	v1 =	vshrl.u32 v2, $0x3;
	s9 =	sadd.s32 s4, s2;
	s10 =	sadd.s32 s24, s2;
	s11 =	sadd.s32 s26, s2  }
0x17: {  	v0 =	vand.u32 $0x7, v2;
	v2 =	vor.u32 $0x8, v2;
	v1 =	vmul.u32 $0x8, v1;
	s24 =	simm.s32 $0xD200;
	s26 =	simm.s32 $0xE200;
	s2 =	simm.s32 $0x5  }
.LBB2_4:
0x18: {  	s0 =	rddreg [dreg:$0x6]  }
0x19: {  	s4 =	rddreg [dreg:$0x5];
	s0 =	sadd.s32 $0x1, s0  }
0x1a: {  	p0 =	sne.s32 s0, s4  }
.Ltmp1:
0x1b: {  	_ = 	snop;
	(pc) =	sbr.rel @!p0 .LBB2_5-.Ltmp1, $1  }
0x1c: {  	_ =	sdelay $0x3  }
.LBB2_1:
0x1d: {  	[dreg:$0x6] =	wrdreg s0  }
0x1e: {  	s4 =	rddreg [dreg:$0x4]  }
0x1f: {  	s8 =	simm.s32 $0x80;
	s14 =	simm.s32 $0x200;
	s0 =	simm.s32 $0x9  }
0x20: {  	[tilespmem:s3], [sflag:$0x9] =	stream.strided.gather [hbm4b:s4+s8], $0x200, s14, s8, $0x38;
	[tilespmem:$0x10200] =	vst v63  }
0x21: {  	_ =	swait.ge [sflag:s0], $0x200  }
0x22: {  	[sflag:s0] =	ssyncset.done $0x0  }
0x23: {  	[sflag:s0] =	ssyncadd.s32 $0xFFFFFE00  }
0x24: {  	v3 =	vld [tilespmem:$0x0];
	_ =	sdelay $0x4  }
0x25: {  	v4 =	vshll.u32 v3, $0x3  }
0x26: {  	v3 =	vand.u32 $0x7, v3;
	v4 =	vand.u32 $0xFFFFFFC0, v4  }
0x27: {  	v3 =	vor.u32 v3, v4  }
0x28: {  	v4 =	vperm.xlane v3, v0;
	_ =	sdelay $0x1  }
0x29: {  	v4 =	vadd.s32 v1, v4;
	_ =	sdelay $0x4  }
0x2a: {  	[tilespmem:s14], [sflag:$0x1] =	stream.indirect_vreg.gather [hbm4b:s1+s3], $0x80, v4, vm0, $0xb8;
	[tilespmem:$0x10200] =	vst v63  }
0x2b: {  	s8 =	simm.s32 $0xA00;
	v3 =	vperm.xlane v3, v2  }
0x2c: {  	[tilespmem:s8], [sflag:$0x1] =	stream.indirect_vreg.gather [hbm4b:s5+s3], $0x80, v4, vm0, $0xb8;
	[tilespmem:$0x10200] =	vst v63  }
0x2d: {  	v3 =	vadd.s32 v1, v3;
	s14 =	simm.s32 $0x1200  }
0x2e: {  	[tilespmem:s14], [sflag:$0x1] =	stream.indirect_vreg.gather [hbm4b:s6+s3], $0x80, v4, vm0, $0xb8;
	[tilespmem:$0x10200] =	vst v63  }
0x2f: {  	s15 =	simm.s32 $0x1A00  }
0x30: {  	[tilespmem:s15], [sflag:$0x1] =	stream.indirect_vreg.gather [hbm4b:s7+s3], $0x80, v4, vm0, $0xb8;
	[tilespmem:$0x10200] =	vst v63  }
0x31: {  	s0 =	simm.s32 $0x2200  }
0x32: {  	[tilespmem:s0], [sflag:$0x1] =	stream.indirect_vreg.gather [hbm4b:s1+s3], $0x80, v3, vm0, $0xb8;
	[tilespmem:$0x10200] =	vst v63  }
0x33: {  	s8 =	simm.s32 $0x2A00  }
0x34: {  	[tilespmem:s8], [sflag:$0x1] =	stream.indirect_vreg.gather [hbm4b:s5+s3], $0x80, v3, vm0, $0xb8;
	[tilespmem:$0x10200] =	vst v63  }
0x35: {  	s14 =	simm.s32 $0x3200  }
0x36: {  	[tilespmem:s14], [sflag:$0x1] =	stream.indirect_vreg.gather [hbm4b:s6+s3], $0x80, v3, vm0, $0xb8;
	[tilespmem:$0x10200] =	vst v63  }
0x37: {  	s15 =	simm.s32 $0x3A00  }
0x38: {  	[tilespmem:s15], [sflag:$0x1] =	stream.indirect_vreg.gather [hbm4b:s7+s3], $0x80, v3, vm0, $0xb8;
	[tilespmem:$0x10200] =	vst v63  }
0x39: {  	v3 =	vld [tilespmem:$0x10];
	_ =	sdelay $0x4  }
0x3a: {  	v61 =	vshll.u32 v3, $0x3  }
0x3b: {  	v3 =	vand.u32 $0x7, v3;
	v4 =	vand.u32 $0xFFFFFFC0, v61  }
0x3c: {  	v3 =	vor.u32 v3, v4  }
0x3d: {  	v4 =	vperm.xlane v3, v0;
	_ =	sdelay $0x1  }
0x3e: {  	v4 =	vadd.s32 v1, v4;
	_ =	sdelay $0x3  }
0x3f: {  	s0 =	simm.s32 $0x4200  }
0x40: {  	[tilespmem:s0], [sflag:$0x2] =	stream.indirect_vreg.gather [hbm4b:s1+s3], $0x80, v4, vm0, $0xb8;
	[tilespmem:$0x10200] =	vst v63  }
0x41: {  	s8 =	simm.s32 $0x4A00;
	v3 =	vperm.xlane v3, v2  }
0x42: {  	[tilespmem:s8], [sflag:$0x2] =	stream.indirect_vreg.gather [hbm4b:s5+s3], $0x80, v4, vm0, $0xb8;
	[tilespmem:$0x10200] =	vst v63  }
0x43: {  	s14 =	simm.s32 $0x5200;
	v3 =	vadd.s32 v1, v3  }
0x44: {  	[tilespmem:s14], [sflag:$0x2] =	stream.indirect_vreg.gather [hbm4b:s6+s3], $0x80, v4, vm0, $0xb8;
	[tilespmem:$0x10200] =	vst v63  }
0x45: {  	s15 =	simm.s32 $0x5A00  }
0x46: {  	[tilespmem:s15], [sflag:$0x2] =	stream.indirect_vreg.gather [hbm4b:s7+s3], $0x80, v4, vm0, $0xb8;
	[tilespmem:$0x10200] =	vst v63  }
0x47: {  	s4 =	simm.s32 $0x6200  }
0x48: {  	[tilespmem:s4], [sflag:$0x2] =	stream.indirect_vreg.gather [hbm4b:s1+s3], $0x80, v3, vm0, $0xb8;
	[tilespmem:$0x10200] =	vst v63  }
0x49: {  	s8 =	simm.s32 $0x6A00  }
0x4a: {  	[tilespmem:s8], [sflag:$0x2] =	stream.indirect_vreg.gather [hbm4b:s5+s3], $0x80, v3, vm0, $0xb8;
	[tilespmem:$0x10200] =	vst v63  }
0x4b: {  	s14 =	simm.s32 $0x7200  }
0x4c: {  	[tilespmem:s14], [sflag:$0x2] =	stream.indirect_vreg.gather [hbm4b:s6+s3], $0x80, v3, vm0, $0xb8;
	[tilespmem:$0x10200] =	vst v63  }
0x4d: {  	s15 =	simm.s32 $0x7A00  }
0x4e: {  	[tilespmem:s15], [sflag:$0x2] =	stream.indirect_vreg.gather [hbm4b:s7+s3], $0x80, v3, vm0, $0xb8;
	[tilespmem:$0x10200] =	vst v63  }
0x4f: {  	v3 =	vld [tilespmem:$0x20];
	_ =	sdelay $0x4  }
0x50: {  	v62 =	vshll.u32 v3, $0x3  }
0x51: {  	v3 =	vand.u32 $0x7, v3;
	v4 =	vand.u32 $0xFFFFFFC0, v62  }
0x52: {  	v3 =	vor.u32 v3, v4  }
0x53: {  	v4 =	vperm.xlane v3, v0;
	_ =	sdelay $0x1  }
0x54: {  	v4 =	vadd.s32 v1, v4;
	_ =	sdelay $0x3  }
0x55: {  	s4 =	simm.s32 $0x8200  }
0x56: {  	[tilespmem:s4], [sflag:$0x3] =	stream.indirect_vreg.gather [hbm4b:s1+s3], $0x80, v4, vm0, $0xb8;
	[tilespmem:$0x10200] =	vst v63  }
0x57: {  	s8 =	simm.s32 $0x8A00;
	v3 =	vperm.xlane v3, v2  }
0x58: {  	[tilespmem:s8], [sflag:$0x3] =	stream.indirect_vreg.gather [hbm4b:s5+s3], $0x80, v4, vm0, $0xb8;
	[tilespmem:$0x10200] =	vst v63  }
0x59: {  	s14 =	simm.s32 $0x9200;
	v3 =	vadd.s32 v1, v3  }
0x5a: {  	[tilespmem:s14], [sflag:$0x3] =	stream.indirect_vreg.gather [hbm4b:s6+s3], $0x80, v4, vm0, $0xb8;
	[tilespmem:$0x10200] =	vst v63  }
0x5b: {  	s15 =	simm.s32 $0x9A00  }
0x5c: {  	[tilespmem:s15], [sflag:$0x3] =	stream.indirect_vreg.gather [hbm4b:s7+s3], $0x80, v4, vm0, $0xb8;
	[tilespmem:$0x10200] =	vst v63  }
0x5d: {  	s4 =	simm.s32 $0xA200  }
0x5e: {  	[tilespmem:s4], [sflag:$0x3] =	stream.indirect_vreg.gather [hbm4b:s1+s3], $0x80, v3, vm0, $0xb8;
	[tilespmem:$0x10200] =	vst v63  }
0x5f: {  	s8 =	simm.s32 $0xAA00  }
0x60: {  	[tilespmem:s8], [sflag:$0x3] =	stream.indirect_vreg.gather [hbm4b:s5+s3], $0x80, v3, vm0, $0xb8;
	[tilespmem:$0x10200] =	vst v63  }
0x61: {  	s14 =	simm.s32 $0xB200  }
0x62: {  	[tilespmem:s14], [sflag:$0x3] =	stream.indirect_vreg.gather [hbm4b:s6+s3], $0x80, v3, vm0, $0xb8;
	[tilespmem:$0x10200] =	vst v63  }
0x63: {  	s15 =	simm.s32 $0xBA00  }
0x64: {  	[tilespmem:s15], [sflag:$0x3] =	stream.indirect_vreg.gather [hbm4b:s7+s3], $0x80, v3, vm0, $0xb8;
	[tilespmem:$0x10200] =	vst v63  }
0x65: {  	v3 =	vld [tilespmem:$0x30];
	_ =	sdelay $0x4  }
0x66: {  	v63 =	vshll.u32 v3, $0x3  }
0x67: {  	v3 =	vand.u32 $0x7, v3;
	v4 =	vand.u32 $0xFFFFFFC0, v63  }
0x68: {  	v3 =	vor.u32 v3, v4  }
0x69: {  	v4 =	vperm.xlane v3, v0;
	_ =	sdelay $0x1  }
0x6a: {  	v4 =	vadd.s32 v1, v4;
	_ =	sdelay $0x4  }
0x6b: {  	[tilespmem:s21], [sflag:$0x4] =	stream.indirect_vreg.gather [hbm4b:s1+s3], $0x80, v4, vm0, $0xb8;
	[tilespmem:$0x10200] =	vst v63  }
0x6c: {  	v3 =	vperm.xlane v3, v2  }
0x6d: {  	[tilespmem:s22], [sflag:$0x4] =	stream.indirect_vreg.gather [hbm4b:s5+s3], $0x80, v4, vm0, $0xb8;
	[tilespmem:$0x10200] =	vst v63  }
0x6e: {  	v3 =	vadd.s32 v1, v3  }
0x6f: {  	[tilespmem:s24], [sflag:$0x4] =	stream.indirect_vreg.gather [hbm4b:s6+s3], $0x80, v4, vm0, $0xb8;
	[tilespmem:$0x10200] =	vst v63  }
0x70: {  	_ = 	snop  }
0x71: {  	[tilespmem:s25], [sflag:$0x4] =	stream.indirect_vreg.gather [hbm4b:s7+s3], $0x80, v4, vm0, $0xb8;
	[tilespmem:$0x10200] =	vst v63  }
0x72: {  	_ = 	snop  }
0x73: {  	[tilespmem:s26], [sflag:$0x4] =	stream.indirect_vreg.gather [hbm4b:s1+s3], $0x80, v3, vm0, $0xb8;
	[tilespmem:$0x10200] =	vst v63  }
0x74: {  	_ = 	snop  }
0x75: {  	[tilespmem:s28], [sflag:$0x4] =	stream.indirect_vreg.gather [hbm4b:s5+s3], $0x80, v3, vm0, $0xb8;
	[tilespmem:$0x10200] =	vst v63  }
0x76: {  	_ = 	snop  }
0x77: {  	[tilespmem:s29], [sflag:$0x4] =	stream.indirect_vreg.gather [hbm4b:s6+s3], $0x80, v3, vm0, $0xb8;
	[tilespmem:$0x10200] =	vst v63  }
0x78: {  	s8 =	simm.s32 $0x70;
	s15 =	simm.s32 $0x0  }
0x79: {  	[tilespmem:s30], [sflag:$0x4] =	stream.indirect_vreg.gather [hbm4b:s7+s3], $0x80, v3, vm0, $0xb8;
	[tilespmem:$0x10200] =	vst v63  }
.LBB2_2:
0x7a: {  	_ =	swait.ge [sflag:s31], $0x4000  }
0x7b: {  	[sflag:s31] =	ssyncset.done $0x0  }
0x7c: {  	s4 =	sadd.s32 s15, s12;
	[sflag:s31] =	ssyncadd.s32 $0xFFFFC000  }
0x7d: {  	[hbm4b:s4+s3] =	stream.linear.scatter [tilespmem:s23], [sflag:$0x5], $0x4000, $0x38;
	[tilespmem:$0x10200] =	vst v63  }
0x7e: {  	_ =	swait.ge [sflag:s2], $0x4000  }
0x7f: {  	[sflag:s2] =	ssyncset.done $0x0  }
0x80: {  	p0 =	seq.s32 s15, $0xE000;
	[sflag:s2] =	ssyncadd.s32 $0xFFFFC000  }
0x81: {  	v3 =	vld @!p0 [tilespmem:s8+$0xFFFFFFD0];
	_ =	sdelay $0x4  }
0x82: {  	v4 =	vshll.u32 @!p0 v3, $0x3  }
0x83: {  	v5 =	vlaneseq.u32 @!p0;
	v3 =	vand.u32 @!p0 $0x7, v3;
	v4 =	vand.u32 @!p0 $0xFFFFFFC0, v4  }
0x84: {  	v6 =	vshrl.u32 @!p0 v5, $0x3;
	v3 =	vor.u32 @!p0 v3, v4;
	v4 =	vand.u32 @!p0 $0x7, v5  }
0x85: {  	v6 =	vmul.u32 @!p0 $0x8, v6;
	v7 =	vperm.xlane @!p0 v3, v4;
	_ =	sdelay $0x1  }
0x86: {  	v7 =	vadd.s32 @!p0 v6, v7;
	_ =	sdelay $0x3  }
0x87: {  	vm1 =	vmmov @!p0 $0xffff;
	s14 =	simm.s32 @!p0 $0x200;
	s4 =	simm.s32 @!p0 $0x0  }
0x88: {  	v5 =	vor.u32 @!p0 $0x8, v5;
	[tilespmem:s14], [sflag:$0x1] =	stream.indirect_vreg.gather @!p0 [hbm4b:s1+s4], $0x80, v7, vm1, $0xb8;
	[tilespmem:$0x10200] =	vst v63  }
0x89: {  	v3 =	vperm.xlane @!p0 v3, v5;
	s14 =	simm.s32 @!p0 $0xA00  }
0x8a: {  	[tilespmem:s14], [sflag:$0x1] =	stream.indirect_vreg.gather @!p0 [hbm4b:s5+s4], $0x80, v7, vm1, $0xb8;
	[tilespmem:$0x10200] =	vst v63  }
0x8b: {  	v3 =	vadd.s32 @!p0 v6, v3;
	s14 =	simm.s32 @!p0 $0x1200  }
0x8c: {  	[tilespmem:s14], [sflag:$0x1] =	stream.indirect_vreg.gather @!p0 [hbm4b:s6+s4], $0x80, v7, vm1, $0xb8;
	[tilespmem:$0x10200] =	vst v63  }
0x8d: {  	s14 =	simm.s32 @!p0 $0x1A00  }
0x8e: {  	[tilespmem:s14], [sflag:$0x1] =	stream.indirect_vreg.gather @!p0 [hbm4b:s7+s4], $0x80, v7, vm1, $0xb8;
	[tilespmem:$0x10200] =	vst v63  }
0x8f: {  	s14 =	simm.s32 @!p0 $0x2200  }
0x90: {  	[tilespmem:s14], [sflag:$0x1] =	stream.indirect_vreg.gather @!p0 [hbm4b:s1+s4], $0x80, v3, vm1, $0xb8;
	[tilespmem:$0x10200] =	vst v63  }
0x91: {  	s14 =	simm.s32 @!p0 $0x2A00  }
0x92: {  	[tilespmem:s14], [sflag:$0x1] =	stream.indirect_vreg.gather @!p0 [hbm4b:s5+s4], $0x80, v3, vm1, $0xb8;
	[tilespmem:$0x10200] =	vst v63  }
0x93: {  	s14 =	simm.s32 @!p0 $0x3200  }
0x94: {  	[tilespmem:s14], [sflag:$0x1] =	stream.indirect_vreg.gather @!p0 [hbm4b:s6+s4], $0x80, v3, vm1, $0xb8;
	[tilespmem:$0x10200] =	vst v63  }
0x95: {  	s14 =	simm.s32 @!p0 $0x3A00  }
0x96: {  	[tilespmem:s14], [sflag:$0x1] =	stream.indirect_vreg.gather @!p0 [hbm4b:s7+s4], $0x80, v3, vm1, $0xb8;
	[tilespmem:$0x10200] =	vst v63  }
0x97: {  	_ =	swait.ge [sflag:s13], $0x4000  }
0x98: {  	[sflag:s13] =	ssyncset.done $0x0  }
0x99: {  	s0 =	simm.s32 $0x4200;
	s14 =	sadd.s32 s15, s11;
	[sflag:s13] =	ssyncadd.s32 $0xFFFFC000  }
0x9a: {  	[hbm4b:s14+s3] =	stream.linear.scatter [tilespmem:s0], [sflag:$0x6], $0x4000, $0x38;
	[tilespmem:$0x10200] =	vst v63  }
0x9b: {  	_ =	swait.ge [sflag:s16], $0x4000  }
0x9c: {  	[sflag:s16] =	ssyncset.done $0x0  }
0x9d: {  	[sflag:s16] =	ssyncadd.s32 $0xFFFFC000  }
0x9e: {  	v3 =	vld @!p0 [tilespmem:s8+$0xFFFFFFE0];
	_ =	sdelay $0x4  }
0x9f: {  	v7 =	vshll.u32 @!p0 v3, $0x3  }
0xa0: {  	v3 =	vand.u32 @!p0 $0x7, v3;
	v7 =	vand.u32 @!p0 $0xFFFFFFC0, v7  }
0xa1: {  	v3 =	vor.u32 @!p0 v3, v7  }
0xa2: {  	v7 =	vperm.xlane @!p0 v3, v4;
	_ =	sdelay $0x1  }
0xa3: {  	v7 =	vadd.s32 @!p0 v6, v7;
	_ =	sdelay $0x3  }
0xa4: {  	s14 =	simm.s32 @!p0 $0x4200  }
0xa5: {  	[tilespmem:s14], [sflag:$0x2] =	stream.indirect_vreg.gather @!p0 [hbm4b:s1+s4], $0x80, v7, vm1, $0xb8;
	[tilespmem:$0x10200] =	vst v63  }
0xa6: {  	v3 =	vperm.xlane @!p0 v3, v5;
	s14 =	simm.s32 @!p0 $0x4A00  }
0xa7: {  	[tilespmem:s14], [sflag:$0x2] =	stream.indirect_vreg.gather @!p0 [hbm4b:s5+s4], $0x80, v7, vm1, $0xb8;
	[tilespmem:$0x10200] =	vst v63  }
0xa8: {  	v3 =	vadd.s32 @!p0 v6, v3;
	s14 =	simm.s32 @!p0 $0x5200  }
0xa9: {  	[tilespmem:s14], [sflag:$0x2] =	stream.indirect_vreg.gather @!p0 [hbm4b:s6+s4], $0x80, v7, vm1, $0xb8;
	[tilespmem:$0x10200] =	vst v63  }
0xaa: {  	s14 =	simm.s32 @!p0 $0x5A00  }
0xab: {  	[tilespmem:s14], [sflag:$0x2] =	stream.indirect_vreg.gather @!p0 [hbm4b:s7+s4], $0x80, v7, vm1, $0xb8;
	[tilespmem:$0x10200] =	vst v63  }
0xac: {  	s14 =	simm.s32 @!p0 $0x6200  }
0xad: {  	[tilespmem:s14], [sflag:$0x2] =	stream.indirect_vreg.gather @!p0 [hbm4b:s1+s4], $0x80, v3, vm1, $0xb8;
	[tilespmem:$0x10200] =	vst v63  }
0xae: {  	s14 =	simm.s32 @!p0 $0x6A00  }
0xaf: {  	[tilespmem:s14], [sflag:$0x2] =	stream.indirect_vreg.gather @!p0 [hbm4b:s5+s4], $0x80, v3, vm1, $0xb8;
	[tilespmem:$0x10200] =	vst v63  }
0xb0: {  	s14 =	simm.s32 @!p0 $0x7200  }
0xb1: {  	[tilespmem:s14], [sflag:$0x2] =	stream.indirect_vreg.gather @!p0 [hbm4b:s6+s4], $0x80, v3, vm1, $0xb8;
	[tilespmem:$0x10200] =	vst v63  }
0xb2: {  	s14 =	simm.s32 @!p0 $0x7A00  }
0xb3: {  	[tilespmem:s14], [sflag:$0x2] =	stream.indirect_vreg.gather @!p0 [hbm4b:s7+s4], $0x80, v3, vm1, $0xb8;
	[tilespmem:$0x10200] =	vst v63  }
0xb4: {  	_ =	swait.ge [sflag:s17], $0x4000  }
0xb5: {  	[sflag:s17] =	ssyncset.done $0x0  }
0xb6: {  	s0 =	simm.s32 $0x8200;
	s14 =	sadd.s32 s15, s10;
	[sflag:s17] =	ssyncadd.s32 $0xFFFFC000  }
0xb7: {  	[hbm4b:s14+s3] =	stream.linear.scatter [tilespmem:s0], [sflag:$0x7], $0x4000, $0x38;
	[tilespmem:$0x10200] =	vst v63  }
0xb8: {  	_ =	swait.ge [sflag:s18], $0x4000  }
0xb9: {  	[sflag:s18] =	ssyncset.done $0x0  }
0xba: {  	[sflag:s18] =	ssyncadd.s32 $0xFFFFC000  }
0xbb: {  	v3 =	vld @!p0 [tilespmem:s8+$0xFFFFFFF0];
	_ =	sdelay $0x4  }
0xbc: {  	v7 =	vshll.u32 @!p0 v3, $0x3  }
0xbd: {  	v3 =	vand.u32 @!p0 $0x7, v3;
	v7 =	vand.u32 @!p0 $0xFFFFFFC0, v7  }
0xbe: {  	v3 =	vor.u32 @!p0 v3, v7  }
0xbf: {  	v4 =	vperm.xlane @!p0 v3, v4;
	_ =	sdelay $0x1  }
0xc0: {  	v4 =	vadd.s32 @!p0 v6, v4;
	_ =	sdelay $0x3  }
0xc1: {  	s14 =	simm.s32 @!p0 $0x8200  }
0xc2: {  	[tilespmem:s14], [sflag:$0x3] =	stream.indirect_vreg.gather @!p0 [hbm4b:s1+s4], $0x80, v4, vm1, $0xb8;
	[tilespmem:$0x10200] =	vst v63  }
0xc3: {  	v3 =	vperm.xlane @!p0 v3, v5;
	s14 =	simm.s32 @!p0 $0x8A00  }
0xc4: {  	[tilespmem:s14], [sflag:$0x3] =	stream.indirect_vreg.gather @!p0 [hbm4b:s5+s4], $0x80, v4, vm1, $0xb8;
	[tilespmem:$0x10200] =	vst v63  }
0xc5: {  	v3 =	vadd.s32 @!p0 v6, v3;
	s14 =	simm.s32 @!p0 $0x9200  }
0xc6: {  	[tilespmem:s14], [sflag:$0x3] =	stream.indirect_vreg.gather @!p0 [hbm4b:s6+s4], $0x80, v4, vm1, $0xb8;
	[tilespmem:$0x10200] =	vst v63  }
0xc7: {  	s14 =	simm.s32 @!p0 $0x9A00  }
0xc8: {  	[tilespmem:s14], [sflag:$0x3] =	stream.indirect_vreg.gather @!p0 [hbm4b:s7+s4], $0x80, v4, vm1, $0xb8;
	[tilespmem:$0x10200] =	vst v63  }
0xc9: {  	s14 =	simm.s32 @!p0 $0xA200  }
0xca: {  	[tilespmem:s14], [sflag:$0x3] =	stream.indirect_vreg.gather @!p0 [hbm4b:s1+s4], $0x80, v3, vm1, $0xb8;
	[tilespmem:$0x10200] =	vst v63  }
0xcb: {  	s14 =	simm.s32 @!p0 $0xAA00  }
0xcc: {  	[tilespmem:s14], [sflag:$0x3] =	stream.indirect_vreg.gather @!p0 [hbm4b:s5+s4], $0x80, v3, vm1, $0xb8;
	[tilespmem:$0x10200] =	vst v63  }
0xcd: {  	s14 =	simm.s32 @!p0 $0xB200  }
0xce: {  	[tilespmem:s14], [sflag:$0x3] =	stream.indirect_vreg.gather @!p0 [hbm4b:s6+s4], $0x80, v3, vm1, $0xb8;
	[tilespmem:$0x10200] =	vst v63  }
0xcf: {  	s14 =	simm.s32 @!p0 $0xBA00  }
0xd0: {  	[tilespmem:s14], [sflag:$0x3] =	stream.indirect_vreg.gather @!p0 [hbm4b:s7+s4], $0x80, v3, vm1, $0xb8;
	[tilespmem:$0x10200] =	vst v63  }
0xd1: {  	_ =	swait.ge [sflag:s19], $0x4000  }
0xd2: {  	[sflag:s19] =	ssyncset.done $0x0  }
.Ltmp2:
0xd3: {  	s14 =	sadd.s32 s15, s9;
	[sflag:s19] =	ssyncadd.s32 $0xFFFFC000;
	(pc) =	sbr.rel @p0 .LBB2_4-.Ltmp2, $4  }
0xd4: {  	[hbm4b:s14+s3] =	stream.linear.scatter [tilespmem:s21], [sflag:$0x8], $0x4000, $0x38;
	[tilespmem:$0x10200] =	vst v63  }
0xd5: {  	_ =	swait.ge [sflag:s20], $0x4000  }
0xd6: {  	[sflag:s20] =	ssyncset.done $0x0  }
0xd7: {  	[sflag:s20] =	ssyncadd.s32 $0xFFFFC000  }
0xd8: {  	v3 =	vld [tilespmem:s8+$0x0];
	_ =	sdelay $0x4  }
0xd9: {  	v4 =	vshll.u32 v3, $0x3  }
0xda: {  	v3 =	vand.u32 $0x7, v3;
	v4 =	vand.u32 $0xFFFFFFC0, v4  }
0xdb: {  	v3 =	vor.u32 v3, v4  }
0xdc: {  	v4 =	vperm.xlane v3, v0;
	_ =	sdelay $0x1  }
0xdd: {  	v4 =	vadd.s32 v1, v4;
	_ =	sdelay $0x4  }
0xde: {  	[tilespmem:s21], [sflag:$0x4] =	stream.indirect_vreg.gather [hbm4b:s1+s3], $0x80, v4, vm0, $0xb8;
	[tilespmem:$0x10200] =	vst v63  }
0xdf: {  	v3 =	vperm.xlane v3, v2  }
0xe0: {  	[tilespmem:s22], [sflag:$0x4] =	stream.indirect_vreg.gather [hbm4b:s5+s3], $0x80, v4, vm0, $0xb8;
	[tilespmem:$0x10200] =	vst v63  }
0xe1: {  	v3 =	vadd.s32 v1, v3  }
0xe2: {  	[tilespmem:s24], [sflag:$0x4] =	stream.indirect_vreg.gather [hbm4b:s6+s3], $0x80, v4, vm0, $0xb8;
	[tilespmem:$0x10200] =	vst v63  }
0xe3: {  	_ = 	snop  }
0xe4: {  	[tilespmem:s25], [sflag:$0x4] =	stream.indirect_vreg.gather [hbm4b:s7+s3], $0x80, v4, vm0, $0xb8;
	[tilespmem:$0x10200] =	vst v63  }
0xe5: {  	_ = 	snop  }
0xe6: {  	[tilespmem:s26], [sflag:$0x4] =	stream.indirect_vreg.gather [hbm4b:s1+s3], $0x80, v3, vm0, $0xb8;
	[tilespmem:$0x10200] =	vst v63  }
0xe7: {  	_ = 	snop  }
0xe8: {  	[tilespmem:s28], [sflag:$0x4] =	stream.indirect_vreg.gather [hbm4b:s5+s3], $0x80, v3, vm0, $0xb8;
	[tilespmem:$0x10200] =	vst v63  }
.Ltmp3:
0xe9: {  	_ = 	snop;
	(pc) =	sbr.rel .LBB2_2-.Ltmp3, $4  }
0xea: {  	_ = 	snop  }
0xeb: {  	[tilespmem:s29], [sflag:$0x4] =	stream.indirect_vreg.gather [hbm4b:s6+s3], $0x80, v3, vm0, $0xb8;
	[tilespmem:$0x10200] =	vst v63  }
0xec: {  	s15 =	sadd.s32 $0x2000, s15;
	s8 =	sadd.s32 $0x40, s8  }
0xed: {  	[tilespmem:s30], [sflag:$0x4] =	stream.indirect_vreg.gather [hbm4b:s7+s3], $0x80, v3, vm0, $0xb8;
	[tilespmem:$0x10200] =	vst v63  }
.LBB2_5:
0xee: {  	_ =	sfence.sel $0x180000  }
0xef: {  	[bflag:$0x0] =	sbarrier.arrive $0xFFFF  }
0xf0: {  	_ =	strace $0x90000047  }
0xf1: {  	s0 =	stileid.u32;
	[bflag:$0x2] =	sbarrier.arrive $0xFFFF  }
0xf2: {  	p0 =	sne.s32 s0, $0x0;
	s0 =	rddreg [dreg:$0x3]  }
0xf3: {  	s0 =	sadd.s32 @!p0 $0x100000, s0  }
0xf4: {  	[sflag:s0] =	ssyncadd.tile.s32 @!p0 $0x1;
	_ =	shalt  }
.Lfunc_end2:
_tile_overlayer_lowered:
.L_overlay_start_2:
0xf5: {  	(tag) =	ssettag $0x2  }
0xf6: {  	s0 =	rddreg [dreg:$0x0];
	s2 =	stileid.u32  }
0xf7: {  	s1 =	rddreg [dreg:$0x1];
	p0 =	sne.s32 s2, $0x0  }
0xf8: {  	s3 =	rddreg [dreg:$0x2];
	[bflag:$0x3] =	sbarrier.arrive $0xFFFF;
	s2 =	simm.s32 @!p0 $0x1C09  }
0xf9: {  	[timem:s3], [sflag:s2] =	dma.local @!p0 [hbm:s0], s1  }
0xfa: {  	s0 =	simm.s32 @!p0 $0x9  }
0xfb: {  	_ =	swait.ge @!p0 [sflag:s0], s1  }
0xfc: {  	s1 =	ssub.s32 @!p0 $0x0, s1;
	[sflag:s0] =	ssyncset.done @!p0 $0x0  }
0xfd: {  	[sflag:s0] =	ssyncadd.s32 @!p0 s1  }
0xfe: {  	[bflag:$0x3] =	sbarrier.arrive $0xFFFF  }
0xff: {  	_ =	shalt  }

</sc_bundles>
